<compile_context>
chip_gen: v7x
topology: tpu7x:2x2x1
jax: 0.10.2.dev20260603
libtpu: 0.0.44.dev20260713+nightly
codegen_flags: <defaults>
</compile_context>

<pallas_src>
import functools

import jax
import jax.numpy as jnp
from jax import lax
from jax.experimental import pallas as pl
from jax.experimental.pallas import tpu as pltpu
from jax.experimental.pallas import tpu_sc as plsc

_N = 100000
_D = 128
_NW = 32
_CHUNK = 200
_NCHUNKS = _N // _CHUNK
_PER_W = -(-_NCHUNKS // _NW)


def _sc_body(w_hbm, ext_hbm, p_hbm, b_hbm, out_hbm, rows_v, ext_v, p_v, b_v):
    wid = lax.axis_index("s") * 2 + lax.axis_index("c")

    pltpu.sync_copy(p_hbm, p_v)
    pltpu.sync_copy(b_hbm, b_v)

    def chunk_body(k, _):
        cid = k * _NW + wid

        @pl.when(cid < _NCHUNKS)
        def _():
            base = cid * _CHUNK
            pltpu.sync_copy(w_hbm.at[pl.ds(base, _CHUNK)], rows_v)
            pltpu.sync_copy(ext_hbm.at[pl.ds(base, _CHUNK)], ext_v)

            def row_body(r, _):
                evec = ext_v[r, :]
                for cc in range(_D // 16):
                    sl = pl.ds(cc * 16, 16)
                    rows_v[r, sl] = rows_v[r, sl] + evec * p_v[sl] + b_v[sl]
                return 0

            lax.fori_loop(0, _CHUNK, row_body, 0)
            pltpu.sync_copy(rows_v, out_hbm.at[pl.ds(base, _CHUNK)])

        return 0

    lax.fori_loop(0, _PER_W, chunk_body, 0)


def kernel(n_species, is_external, identity_embed_weight, external_proj_weight, external_proj_bias):
    del n_species
    n, d = identity_embed_weight.shape
    ext = jnp.broadcast_to(is_external.astype(jnp.float32)[:, None], (n, 16))
    p_vec = external_proj_weight.reshape(d)
    b_vec = external_proj_bias.reshape(d)
    mesh = plsc.VectorSubcoreMesh(core_axis_name="c", subcore_axis_name="s")
    run = functools.partial(
        pl.kernel,
        mesh=mesh,
        out_type=jax.ShapeDtypeStruct((n, d), jnp.float32),
        scratch_types=[
            pltpu.VMEM((_CHUNK, _D), jnp.float32),
            pltpu.VMEM((_CHUNK, 16), jnp.float32),
            pltpu.VMEM((_D,), jnp.float32),
            pltpu.VMEM((_D,), jnp.float32),
        ],
    )(_sc_body)
    return run(identity_embed_weight, ext, p_vec, b_vec)

# --- scband reference (transcript-rebuilt; emitter-appended) ---
"""Pipeline reference for scband-species-embedding-2808908611727 (READ-ONLY COPY).

The authoritative reference and input builder live on the scoring server;
editing this copy changes nothing except your own understanding.
"""

import jax, jax.numpy as jnp
import numpy as np

MAX_SPECIES = 100000
D_MODEL = 128
N_SPECIES = 100000


def setup_inputs(seed: int = 0) -> dict:
    key = jax.random.key(seed)
    k1, k2, k3 = jax.random.split(key, 3)
    n_species = N_SPECIES
    is_external = jax.random.randint(k1, (n_species,), 0, 2).astype(jnp.bool_)
    # Learned parameters sized per init_kwargs
    identity_embed_weight = jax.random.normal(k2, (MAX_SPECIES, D_MODEL), dtype=jnp.float32)
    external_proj_weight = jax.random.normal(k3, (D_MODEL, 1), dtype=jnp.float32) * 0.02
    external_proj_bias = jnp.zeros((D_MODEL,), dtype=jnp.float32)
    return {
        "n_species": n_species,
        "is_external": is_external,
        "identity_embed_weight": identity_embed_weight,
        "external_proj_weight": external_proj_weight,
        "external_proj_bias": external_proj_bias,
    }


def reference(n_species, is_external, identity_embed_weight, external_proj_weight, external_proj_bias):
    # forward(): indices = arange(n_species); embed_from_indices(indices, is_external)
    static_n = is_external.shape[0]
    indices = jnp.arange(static_n) + (n_species - static_n)
    h = jnp.take(identity_embed_weight, indices, axis=0)  # embedding gather
    if is_external is not None:
        ext = is_external.astype(jnp.float32)[:, None]  # (n_species, 1)
        ext_emb = ext @ external_proj_weight.T + external_proj_bias  # Linear(1, d_model)
        h = h + ext_emb
    return h

if __name__ == "__main__":
    import jax
    _d = setup_inputs()
    print(jax.jit(kernel)(*tuple(_d.values())))

</pallas_src>

<mosaic_0001>
#map = affine_map<(d0, d1) -> (0, 0)>
#map1 = affine_map<(d0, d1) -> (0)>
module attributes {stable_mosaic.version = 14 : i64} {
  func.func @_sc_body(%arg0: i32, %arg1: i32, %arg2: memref<100000x128xf32, #tpu.memory_space<hbm>>, %arg3: memref<100000x16xf32, #tpu.memory_space<hbm>>, %arg4: memref<128xf32, #tpu.memory_space<hbm>>, %arg5: memref<128xf32, #tpu.memory_space<hbm>>, %arg6: memref<100000x128xf32, #tpu.memory_space<hbm>>, %arg7: memref<200x128xf32, #tpu.memory_space<vmem>>, %arg8: memref<200x16xf32, #tpu.memory_space<vmem>>, %arg9: memref<128xf32, #tpu.memory_space<vmem>>, %arg10: memref<128xf32, #tpu.memory_space<vmem>>) attributes {dimension_semantics = [#tpu.dimension_semantics<core_parallel>, #tpu.dimension_semantics<subcore_parallel>], iteration_bounds = array<i64: 2, 16>, scalar_prefetch = 0 : i64, scratch_operands = 4 : i64, tpu.core_type = #tpu.core_type<sc_vector_subcore>, window_params = [{transform_indices = #map}, {transform_indices = #map}, {transform_indices = #map1}, {transform_indices = #map1}, {transform_indices = #map}]} {
    %mul3A = arith.constant 2 : i32
    %mul3A_0 = arith.muli %arg1, %mul3A : i32
    %add3A = arith.addi %mul3A_0, %arg0 : i32
    "tpu.region"() ({
      %run_scoped3A = tpu.sem_alloc : memref<!tpu.dma_semaphore, #tpu.memory_space<semaphore_mem>>
      tpu.enqueue_dma source(%arg4 : memref<128xf32, #tpu.memory_space<hbm>>) target(%arg9 : memref<128xf32, #tpu.memory_space<vmem>>) target_semaphore(%run_scoped3A : memref<!tpu.dma_semaphore, #tpu.memory_space<semaphore_mem>>)
      tpu.wait_dma2 semaphore(%run_scoped3A : memref<!tpu.dma_semaphore, #tpu.memory_space<semaphore_mem>>) src(%arg4 : memref<128xf32, #tpu.memory_space<hbm>>) dst(%arg9 : memref<128xf32, #tpu.memory_space<vmem>>)
      tpu.yield
    }) : () -> ()
    "tpu.region"() ({
      %run_scoped3A = tpu.sem_alloc : memref<!tpu.dma_semaphore, #tpu.memory_space<semaphore_mem>>
      tpu.enqueue_dma source(%arg5 : memref<128xf32, #tpu.memory_space<hbm>>) target(%arg10 : memref<128xf32, #tpu.memory_space<vmem>>) target_semaphore(%run_scoped3A : memref<!tpu.dma_semaphore, #tpu.memory_space<semaphore_mem>>)
      tpu.wait_dma2 semaphore(%run_scoped3A : memref<!tpu.dma_semaphore, #tpu.memory_space<semaphore_mem>>) src(%arg5 : memref<128xf32, #tpu.memory_space<hbm>>) dst(%arg10 : memref<128xf32, #tpu.memory_space<vmem>>)
      tpu.yield
    }) : () -> ()
    %scan3A = arith.constant 0 : i32
    %scan3A_1 = arith.constant 0 : i32
    %scan3A_2 = arith.constant 16 : i32
    %scan3A_3 = arith.addi %scan3A_1, %scan3A_2 : i32
    %scan3A_4 = arith.constant 1 : i32
    %scan3A_5 = scf.for %scan3A_7 = %scan3A_1 to %scan3A_3 step %scan3A_4 iter_args(%scan3A_8 = %scan3A) -> (i32)  : i32 {
      %mul3A_9 = arith.constant 32 : i32
      %mul3A_10 = arith.muli %scan3A_7, %mul3A_9 : i32
      %add3A_11 = arith.addi %mul3A_10, %add3A : i32
      %lt3A = arith.constant 500 : i32
      %lt3A_12 = arith.cmpi slt, %add3A_11, %lt3A : i32
      %convert_element_type3A = arith.extui %lt3A_12 : i1 to i32
      %cond3A = arith.constant 0 : i32
      %cond3A_13 = arith.cmpi ne, %convert_element_type3A, %cond3A : i32
      scf.if %cond3A_13 {
        %mul3A_15 = arith.constant 200 : i32
        %mul3A_16 = arith.muli %add3A_11, %mul3A_15 : i32
        "tpu.region"() ({
          %run_scoped3A = tpu.sem_alloc : memref<!tpu.dma_semaphore, #tpu.memory_space<semaphore_mem>>
          %dma_start3A = arith.constant 0 : i32
          %dma_start3A_24 = tpu.memref_slice %arg2[%mul3A_16, %dma_start3A] : memref<100000x128xf32, #tpu.memory_space<hbm>> -> memref<200x128xf32, #tpu.memory_space<hbm>>
          %dma_start3A_25 = arith.constant 0 : i32
          %dma_start3A_26 = tpu.memref_slice %arg2[%mul3A_16, %dma_start3A_25] : memref<100000x128xf32, #tpu.memory_space<hbm>> -> memref<200x128xf32, #tpu.memory_space<hbm>>
          tpu.enqueue_dma source(%dma_start3A_26 : memref<200x128xf32, #tpu.memory_space<hbm>>) target(%arg7 : memref<200x128xf32, #tpu.memory_space<vmem>>) target_semaphore(%run_scoped3A : memref<!tpu.dma_semaphore, #tpu.memory_space<semaphore_mem>>)
          %dma_wait3A = arith.constant 0 : i32
          %dma_wait3A_27 = tpu.memref_slice %arg2[%mul3A_16, %dma_wait3A] : memref<100000x128xf32, #tpu.memory_space<hbm>> -> memref<200x128xf32, #tpu.memory_space<hbm>>
          %dma_wait3A_28 = arith.constant 0 : i32
          %dma_wait3A_29 = tpu.memref_slice %arg2[%mul3A_16, %dma_wait3A_28] : memref<100000x128xf32, #tpu.memory_space<hbm>> -> memref<200x128xf32, #tpu.memory_space<hbm>>
          tpu.wait_dma2 semaphore(%run_scoped3A : memref<!tpu.dma_semaphore, #tpu.memory_space<semaphore_mem>>) src(%dma_wait3A_29 : memref<200x128xf32, #tpu.memory_space<hbm>>) dst(%arg7 : memref<200x128xf32, #tpu.memory_space<vmem>>)
          tpu.yield
        }) : () -> ()
        "tpu.region"() ({
          %run_scoped3A = tpu.sem_alloc : memref<!tpu.dma_semaphore, #tpu.memory_space<semaphore_mem>>
          %dma_start3A = arith.constant 0 : i32
          %dma_start3A_24 = tpu.memref_slice %arg3[%mul3A_16, %dma_start3A] : memref<100000x16xf32, #tpu.memory_space<hbm>> -> memref<200x16xf32, #tpu.memory_space<hbm>>
          %dma_start3A_25 = arith.constant 0 : i32
          %dma_start3A_26 = tpu.memref_slice %arg3[%mul3A_16, %dma_start3A_25] : memref<100000x16xf32, #tpu.memory_space<hbm>> -> memref<200x16xf32, #tpu.memory_space<hbm>>
          tpu.enqueue_dma source(%dma_start3A_26 : memref<200x16xf32, #tpu.memory_space<hbm>>) target(%arg8 : memref<200x16xf32, #tpu.memory_space<vmem>>) target_semaphore(%run_scoped3A : memref<!tpu.dma_semaphore, #tpu.memory_space<semaphore_mem>>)
          %dma_wait3A = arith.constant 0 : i32
          %dma_wait3A_27 = tpu.memref_slice %arg3[%mul3A_16, %dma_wait3A] : memref<100000x16xf32, #tpu.memory_space<hbm>> -> memref<200x16xf32, #tpu.memory_space<hbm>>
          %dma_wait3A_28 = arith.constant 0 : i32
          %dma_wait3A_29 = tpu.memref_slice %arg3[%mul3A_16, %dma_wait3A_28] : memref<100000x16xf32, #tpu.memory_space<hbm>> -> memref<200x16xf32, #tpu.memory_space<hbm>>
          tpu.wait_dma2 semaphore(%run_scoped3A : memref<!tpu.dma_semaphore, #tpu.memory_space<semaphore_mem>>) src(%dma_wait3A_29 : memref<200x16xf32, #tpu.memory_space<hbm>>) dst(%arg8 : memref<200x16xf32, #tpu.memory_space<vmem>>)
          tpu.yield
        }) : () -> ()
        %scan3A_17 = arith.constant 0 : i32
        %scan3A_18 = arith.constant 0 : i32
        %scan3A_19 = arith.constant 200 : i32
        %scan3A_20 = arith.addi %scan3A_18, %scan3A_19 : i32
        %scan3A_21 = arith.constant 1 : i32
        %scan3A_22 = scf.for %scan3A_24 = %scan3A_18 to %scan3A_20 step %scan3A_21 iter_args(%scan3A_25 = %scan3A_17) -> (i32)  : i32 {
          %get3A = arith.index_cast %scan3A_24 : i32 to index
          %get3A_26 = arith.constant 0 : index
          %get3A_27 = tpu.vector_load %arg8[%get3A, %get3A_26] {strides = array<i32>} : memref<200x16xf32, #tpu.memory_space<vmem>>, vector<1x16xf32>,
          %get3A_28 = vector.shape_cast %get3A_27 : vector<1x16xf32> to vector<16xf32>
          %get3A_29 = arith.index_cast %scan3A_24 : i32 to index
          %get3A_30 = arith.constant 0 : index
          %get3A_31 = tpu.vector_load %arg7[%get3A_29, %get3A_30] {strides = array<i32>} : memref<200x128xf32, #tpu.memory_space<vmem>>, vector<1x16xf32>,
          %get3A_32 = vector.shape_cast %get3A_31 : vector<1x16xf32> to vector<16xf32>
          %get3A_33 = arith.constant 0 : index
          %get3A_34 = tpu.vector_load %arg9[%get3A_33] {strides = array<i32>} : memref<128xf32, #tpu.memory_space<vmem>>, vector<16xf32>,
          %get3A_35 = vector.shape_cast %get3A_34 : vector<16xf32> to vector<16xf32>
          %mul3A_36 = arith.mulf %get3A_28, %get3A_35 : vector<16xf32>
          %add3A_37 = arith.addf %get3A_32, %mul3A_36 : vector<16xf32>
          %get3A_38 = arith.constant 0 : index
          %get3A_39 = tpu.vector_load %arg10[%get3A_38] {strides = array<i32>} : memref<128xf32, #tpu.memory_space<vmem>>, vector<16xf32>,
          %get3A_40 = vector.shape_cast %get3A_39 : vector<16xf32> to vector<16xf32>
          %add3A_41 = arith.addf %add3A_37, %get3A_40 : vector<16xf32>
          %swap3A = arith.index_cast %scan3A_24 : i32 to index
          %swap3A_42 = arith.constant 0 : index
          %swap3A_43 = tpu.vector_load %arg7[%swap3A, %swap3A_42] {strides = array<i32>} : memref<200x128xf32, #tpu.memory_space<vmem>>, vector<1x16xf32>,
          %swap3A_44 = vector.shape_cast %swap3A_43 : vector<1x16xf32> to vector<16xf32>
          %swap3A_45 = vector.shape_cast %add3A_41 : vector<16xf32> to vector<1x16xf32>
          tpu.vector_store %arg7[%swap3A, %swap3A_42], %swap3A_45 {strides = array<i32>} : memref<200x128xf32, #tpu.memory_space<vmem>>, vector<1x16xf32>,
          %get3A_46 = arith.index_cast %scan3A_24 : i32 to index
          %get3A_47 = arith.constant 16 : index
          %get3A_48 = tpu.vector_load %arg7[%get3A_46, %get3A_47] {strides = array<i32>} : memref<200x128xf32, #tpu.memory_space<vmem>>, vector<1x16xf32>,
          %get3A_49 = vector.shape_cast %get3A_48 : vector<1x16xf32> to vector<16xf32>
          %get3A_50 = arith.constant 16 : index
          %get3A_51 = tpu.vector_load %arg9[%get3A_50] {strides = array<i32>} : memref<128xf32, #tpu.memory_space<vmem>>, vector<16xf32>,
          %get3A_52 = vector.shape_cast %get3A_51 : vector<16xf32> to vector<16xf32>
          %mul3A_53 = arith.mulf %get3A_28, %get3A_52 : vector<16xf32>
          %add3A_54 = arith.addf %get3A_49, %mul3A_53 : vector<16xf32>
          %get3A_55 = arith.constant 16 : index
          %get3A_56 = tpu.vector_load %arg10[%get3A_55] {strides = array<i32>} : memref<128xf32, #tpu.memory_space<vmem>>, vector<16xf32>,
          %get3A_57 = vector.shape_cast %get3A_56 : vector<16xf32> to vector<16xf32>
          %add3A_58 = arith.addf %add3A_54, %get3A_57 : vector<16xf32>
          %swap3A_59 = arith.index_cast %scan3A_24 : i32 to index
          %swap3A_60 = arith.constant 16 : index
          %swap3A_61 = tpu.vector_load %arg7[%swap3A_59, %swap3A_60] {strides = array<i32>} : memref<200x128xf32, #tpu.memory_space<vmem>>, vector<1x16xf32>,
          %swap3A_62 = vector.shape_cast %swap3A_61 : vector<1x16xf32> to vector<16xf32>
          %swap3A_63 = vector.shape_cast %add3A_58 : vector<16xf32> to vector<1x16xf32>
          tpu.vector_store %arg7[%swap3A_59, %swap3A_60], %swap3A_63 {strides = array<i32>} : memref<200x128xf32, #tpu.memory_space<vmem>>, vector<1x16xf32>,
          %get3A_64 = arith.index_cast %scan3A_24 : i32 to index
          %get3A_65 = arith.constant 32 : index
          %get3A_66 = tpu.vector_load %arg7[%get3A_64, %get3A_65] {strides = array<i32>} : memref<200x128xf32, #tpu.memory_space<vmem>>, vector<1x16xf32>,
          %get3A_67 = vector.shape_cast %get3A_66 : vector<1x16xf32> to vector<16xf32>
          %get3A_68 = arith.constant 32 : index
          %get3A_69 = tpu.vector_load %arg9[%get3A_68] {strides = array<i32>} : memref<128xf32, #tpu.memory_space<vmem>>, vector<16xf32>,
          %get3A_70 = vector.shape_cast %get3A_69 : vector<16xf32> to vector<16xf32>
          %mul3A_71 = arith.mulf %get3A_28, %get3A_70 : vector<16xf32>
          %add3A_72 = arith.addf %get3A_67, %mul3A_71 : vector<16xf32>
          %get3A_73 = arith.constant 32 : index
          %get3A_74 = tpu.vector_load %arg10[%get3A_73] {strides = array<i32>} : memref<128xf32, #tpu.memory_space<vmem>>, vector<16xf32>,
          %get3A_75 = vector.shape_cast %get3A_74 : vector<16xf32> to vector<16xf32>
          %add3A_76 = arith.addf %add3A_72, %get3A_75 : vector<16xf32>
          %swap3A_77 = arith.index_cast %scan3A_24 : i32 to index
          %swap3A_78 = arith.constant 32 : index
          %swap3A_79 = tpu.vector_load %arg7[%swap3A_77, %swap3A_78] {strides = array<i32>} : memref<200x128xf32, #tpu.memory_space<vmem>>, vector<1x16xf32>,
          %swap3A_80 = vector.shape_cast %swap3A_79 : vector<1x16xf32> to vector<16xf32>
          %swap3A_81 = vector.shape_cast %add3A_76 : vector<16xf32> to vector<1x16xf32>
          tpu.vector_store %arg7[%swap3A_77, %swap3A_78], %swap3A_81 {strides = array<i32>} : memref<200x128xf32, #tpu.memory_space<vmem>>, vector<1x16xf32>,
          %get3A_82 = arith.index_cast %scan3A_24 : i32 to index
          %get3A_83 = arith.constant 48 : index
          %get3A_84 = tpu.vector_load %arg7[%get3A_82, %get3A_83] {strides = array<i32>} : memref<200x128xf32, #tpu.memory_space<vmem>>, vector<1x16xf32>,
          %get3A_85 = vector.shape_cast %get3A_84 : vector<1x16xf32> to vector<16xf32>
          %get3A_86 = arith.constant 48 : index
          %get3A_87 = tpu.vector_load %arg9[%get3A_86] {strides = array<i32>} : memref<128xf32, #tpu.memory_space<vmem>>, vector<16xf32>,
          %get3A_88 = vector.shape_cast %get3A_87 : vector<16xf32> to vector<16xf32>
          %mul3A_89 = arith.mulf %get3A_28, %get3A_88 : vector<16xf32>
          %add3A_90 = arith.addf %get3A_85, %mul3A_89 : vector<16xf32>
          %get3A_91 = arith.constant 48 : index
          %get3A_92 = tpu.vector_load %arg10[%get3A_91] {strides = array<i32>} : memref<128xf32, #tpu.memory_space<vmem>>, vector<16xf32>,
          %get3A_93 = vector.shape_cast %get3A_92 : vector<16xf32> to vector<16xf32>
          %add3A_94 = arith.addf %add3A_90, %get3A_93 : vector<16xf32>
          %swap3A_95 = arith.index_cast %scan3A_24 : i32 to index
          %swap3A_96 = arith.constant 48 : index
          %swap3A_97 = tpu.vector_load %arg7[%swap3A_95, %swap3A_96] {strides = array<i32>} : memref<200x128xf32, #tpu.memory_space<vmem>>, vector<1x16xf32>,
          %swap3A_98 = vector.shape_cast %swap3A_97 : vector<1x16xf32> to vector<16xf32>
          %swap3A_99 = vector.shape_cast %add3A_94 : vector<16xf32> to vector<1x16xf32>
          tpu.vector_store %arg7[%swap3A_95, %swap3A_96], %swap3A_99 {strides = array<i32>} : memref<200x128xf32, #tpu.memory_space<vmem>>, vector<1x16xf32>,
          %get3A_100 = arith.index_cast %scan3A_24 : i32 to index
          %get3A_101 = arith.constant 64 : index
          %get3A_102 = tpu.vector_load %arg7[%get3A_100, %get3A_101] {strides = array<i32>} : memref<200x128xf32, #tpu.memory_space<vmem>>, vector<1x16xf32>,
          %get3A_103 = vector.shape_cast %get3A_102 : vector<1x16xf32> to vector<16xf32>
          %get3A_104 = arith.constant 64 : index
          %get3A_105 = tpu.vector_load %arg9[%get3A_104] {strides = array<i32>} : memref<128xf32, #tpu.memory_space<vmem>>, vector<16xf32>,
          %get3A_106 = vector.shape_cast %get3A_105 : vector<16xf32> to vector<16xf32>
          %mul3A_107 = arith.mulf %get3A_28, %get3A_106 : vector<16xf32>
          %add3A_108 = arith.addf %get3A_103, %mul3A_107 : vector<16xf32>
          %get3A_109 = arith.constant 64 : index
          %get3A_110 = tpu.vector_load %arg10[%get3A_109] {strides = array<i32>} : memref<128xf32, #tpu.memory_space<vmem>>, vector<16xf32>,
          %get3A_111 = vector.shape_cast %get3A_110 : vector<16xf32> to vector<16xf32>
          %add3A_112 = arith.addf %add3A_108, %get3A_111 : vector<16xf32>
          %swap3A_113 = arith.index_cast %scan3A_24 : i32 to index
          %swap3A_114 = arith.constant 64 : index
          %swap3A_115 = tpu.vector_load %arg7[%swap3A_113, %swap3A_114] {strides = array<i32>} : memref<200x128xf32, #tpu.memory_space<vmem>>, vector<1x16xf32>,
          %swap3A_116 = vector.shape_cast %swap3A_115 : vector<1x16xf32> to vector<16xf32>
          %swap3A_117 = vector.shape_cast %add3A_112 : vector<16xf32> to vector<1x16xf32>
          tpu.vector_store %arg7[%swap3A_113, %swap3A_114], %swap3A_117 {strides = array<i32>} : memref<200x128xf32, #tpu.memory_space<vmem>>, vector<1x16xf32>,
          %get3A_118 = arith.index_cast %scan3A_24 : i32 to index
          %get3A_119 = arith.constant 80 : index
          %get3A_120 = tpu.vector_load %arg7[%get3A_118, %get3A_119] {strides = array<i32>} : memref<200x128xf32, #tpu.memory_space<vmem>>, vector<1x16xf32>,
          %get3A_121 = vector.shape_cast %get3A_120 : vector<1x16xf32> to vector<16xf32>
          %get3A_122 = arith.constant 80 : index
          %get3A_123 = tpu.vector_load %arg9[%get3A_122] {strides = array<i32>} : memref<128xf32, #tpu.memory_space<vmem>>, vector<16xf32>,
          %get3A_124 = vector.shape_cast %get3A_123 : vector<16xf32> to vector<16xf32>
          %mul3A_125 = arith.mulf %get3A_28, %get3A_124 : vector<16xf32>
          %add3A_126 = arith.addf %get3A_121, %mul3A_125 : vector<16xf32>
          %get3A_127 = arith.constant 80 : index
          %get3A_128 = tpu.vector_load %arg10[%get3A_127] {strides = array<i32>} : memref<128xf32, #tpu.memory_space<vmem>>, vector<16xf32>,
          %get3A_129 = vector.shape_cast %get3A_128 : vector<16xf32> to vector<16xf32>
          %add3A_130 = arith.addf %add3A_126, %get3A_129 : vector<16xf32>
          %swap3A_131 = arith.index_cast %scan3A_24 : i32 to index
          %swap3A_132 = arith.constant 80 : index
          %swap3A_133 = tpu.vector_load %arg7[%swap3A_131, %swap3A_132] {strides = array<i32>} : memref<200x128xf32, #tpu.memory_space<vmem>>, vector<1x16xf32>,
          %swap3A_134 = vector.shape_cast %swap3A_133 : vector<1x16xf32> to vector<16xf32>
          %swap3A_135 = vector.shape_cast %add3A_130 : vector<16xf32> to vector<1x16xf32>
          tpu.vector_store %arg7[%swap3A_131, %swap3A_132], %swap3A_135 {strides = array<i32>} : memref<200x128xf32, #tpu.memory_space<vmem>>, vector<1x16xf32>,
          %get3A_136 = arith.index_cast %scan3A_24 : i32 to index
          %get3A_137 = arith.constant 96 : index
          %get3A_138 = tpu.vector_load %arg7[%get3A_136, %get3A_137] {strides = array<i32>} : memref<200x128xf32, #tpu.memory_space<vmem>>, vector<1x16xf32>,
          %get3A_139 = vector.shape_cast %get3A_138 : vector<1x16xf32> to vector<16xf32>
          %get3A_140 = arith.constant 96 : index
          %get3A_141 = tpu.vector_load %arg9[%get3A_140] {strides = array<i32>} : memref<128xf32, #tpu.memory_space<vmem>>, vector<16xf32>,
          %get3A_142 = vector.shape_cast %get3A_141 : vector<16xf32> to vector<16xf32>
          %mul3A_143 = arith.mulf %get3A_28, %get3A_142 : vector<16xf32>
          %add3A_144 = arith.addf %get3A_139, %mul3A_143 : vector<16xf32>
          %get3A_145 = arith.constant 96 : index
          %get3A_146 = tpu.vector_load %arg10[%get3A_145] {strides = array<i32>} : memref<128xf32, #tpu.memory_space<vmem>>, vector<16xf32>,
          %get3A_147 = vector.shape_cast %get3A_146 : vector<16xf32> to vector<16xf32>
          %add3A_148 = arith.addf %add3A_144, %get3A_147 : vector<16xf32>
          %swap3A_149 = arith.index_cast %scan3A_24 : i32 to index
          %swap3A_150 = arith.constant 96 : index
          %swap3A_151 = tpu.vector_load %arg7[%swap3A_149, %swap3A_150] {strides = array<i32>} : memref<200x128xf32, #tpu.memory_space<vmem>>, vector<1x16xf32>,
          %swap3A_152 = vector.shape_cast %swap3A_151 : vector<1x16xf32> to vector<16xf32>
          %swap3A_153 = vector.shape_cast %add3A_148 : vector<16xf32> to vector<1x16xf32>
          tpu.vector_store %arg7[%swap3A_149, %swap3A_150], %swap3A_153 {strides = array<i32>} : memref<200x128xf32, #tpu.memory_space<vmem>>, vector<1x16xf32>,
          %get3A_154 = arith.index_cast %scan3A_24 : i32 to index
          %get3A_155 = arith.constant 112 : index
          %get3A_156 = tpu.vector_load %arg7[%get3A_154, %get3A_155] {strides = array<i32>} : memref<200x128xf32, #tpu.memory_space<vmem>>, vector<1x16xf32>,
          %get3A_157 = vector.shape_cast %get3A_156 : vector<1x16xf32> to vector<16xf32>
          %get3A_158 = arith.constant 112 : index
          %get3A_159 = tpu.vector_load %arg9[%get3A_158] {strides = array<i32>} : memref<128xf32, #tpu.memory_space<vmem>>, vector<16xf32>,
          %get3A_160 = vector.shape_cast %get3A_159 : vector<16xf32> to vector<16xf32>
          %mul3A_161 = arith.mulf %get3A_28, %get3A_160 : vector<16xf32>
          %add3A_162 = arith.addf %get3A_157, %mul3A_161 : vector<16xf32>
          %get3A_163 = arith.constant 112 : index
          %get3A_164 = tpu.vector_load %arg10[%get3A_163] {strides = array<i32>} : memref<128xf32, #tpu.memory_space<vmem>>, vector<16xf32>,
          %get3A_165 = vector.shape_cast %get3A_164 : vector<16xf32> to vector<16xf32>
          %add3A_166 = arith.addf %add3A_162, %get3A_165 : vector<16xf32>
          %swap3A_167 = arith.index_cast %scan3A_24 : i32 to index
          %swap3A_168 = arith.constant 112 : index
          %swap3A_169 = tpu.vector_load %arg7[%swap3A_167, %swap3A_168] {strides = array<i32>} : memref<200x128xf32, #tpu.memory_space<vmem>>, vector<1x16xf32>,
          %swap3A_170 = vector.shape_cast %swap3A_169 : vector<1x16xf32> to vector<16xf32>
          %swap3A_171 = vector.shape_cast %add3A_166 : vector<16xf32> to vector<1x16xf32>
          tpu.vector_store %arg7[%swap3A_167, %swap3A_168], %swap3A_171 {strides = array<i32>} : memref<200x128xf32, #tpu.memory_space<vmem>>, vector<1x16xf32>,
          %scan3A_172 = arith.constant 0 : i32
          scf.yield %scan3A_172 : i32
        }
        %scan3A_23 = arith.constant 200 : i32
        "tpu.region"() ({
          %run_scoped3A = tpu.sem_alloc : memref<!tpu.dma_semaphore, #tpu.memory_space<semaphore_mem>>
          %dma_start3A = arith.constant 0 : i32
          %dma_start3A_24 = tpu.memref_slice %arg6[%mul3A_16, %dma_start3A] : memref<100000x128xf32, #tpu.memory_space<hbm>> -> memref<200x128xf32, #tpu.memory_space<hbm>>
          %dma_start3A_25 = arith.constant 0 : i32
          %dma_start3A_26 = tpu.memref_slice %arg6[%mul3A_16, %dma_start3A_25] : memref<100000x128xf32, #tpu.memory_space<hbm>> -> memref<200x128xf32, #tpu.memory_space<hbm>>
          tpu.enqueue_dma source(%arg7 : memref<200x128xf32, #tpu.memory_space<vmem>>) target(%dma_start3A_26 : memref<200x128xf32, #tpu.memory_space<hbm>>) target_semaphore(%run_scoped3A : memref<!tpu.dma_semaphore, #tpu.memory_space<semaphore_mem>>)
          %dma_wait3A = arith.constant 0 : i32
          %dma_wait3A_27 = tpu.memref_slice %arg6[%mul3A_16, %dma_wait3A] : memref<100000x128xf32, #tpu.memory_space<hbm>> -> memref<200x128xf32, #tpu.memory_space<hbm>>
          %dma_wait3A_28 = arith.constant 0 : i32
          %dma_wait3A_29 = tpu.memref_slice %arg6[%mul3A_16, %dma_wait3A_28] : memref<100000x128xf32, #tpu.memory_space<hbm>> -> memref<200x128xf32, #tpu.memory_space<hbm>>
          tpu.wait_dma2 semaphore(%run_scoped3A : memref<!tpu.dma_semaphore, #tpu.memory_space<semaphore_mem>>) src(%arg7 : memref<200x128xf32, #tpu.memory_space<vmem>>) dst(%dma_wait3A_29 : memref<200x128xf32, #tpu.memory_space<hbm>>)
          tpu.yield
        }) : () -> ()
      } else {
      }
      %scan3A_14 = arith.constant 0 : i32
      scf.yield %scan3A_14 : i32
    }
    %scan3A_6 = arith.constant 16 : i32
    return
  }
}

</mosaic_0001>

<sc_bundles>
// kernel: kernel.3.cloned.1.call-start
scs
__scs_entry_jumppad:
0x0: {  	(pc) =	sbr.rel $0x88, $3  }
0x1: {  	(tag) =	ssettag $0x0;
	lr =	simm.s32 $0x1  }
0x2: {  	[smem:$0x3F9D] =	sst lr;
	_ =	strace $0xD0000000  }
0x3: {  	_ = 	snop  }
0x4: {  	_ = 	snop  }
0x5: {  	_ = 	snop  }
0x6: {  	_ = 	snop  }
0x7: {  	_ = 	snop  }
__scs_overlays_trampoline_lowered:
0x8: {  	[smem:$0x3FAC] =	sst s0  }
0x9: {  	[smem:$0x3FAD] =	sst s1  }
0xa: {  	[smem:$0x3FAE] =	sst s2  }
0xb: {  	[smem:$0x3FAF] =	sst s3  }
0xc: {  	[smem:$0x3FB0] =	sst s4  }
0xd: {  	[smem:$0x3FB1] =	sst s5  }
0xe: {  	[smem:$0x3FB2] =	sst s6  }
0xf: {  	[smem:$0x3FB3] =	sst s7  }
0x10: {  	[smem:$0x3FB4] =	sst s8  }
0x11: {  	[smem:$0x3FB5] =	sst s9;
	s0 =	simm.s32 @!p0 $0x0  }
0x12: {  	s1 =	sld [smem:$0x3F9B];
	s0 =	simm.s32 @p0 $0x1  }
0x13: {  	[smem:$0x3FB6] =	sst s0;
	s0 =	simm.s32 @!p1 $0x0  }
0x14: {  	s2 =	sld [smem:$0x3F9A];
	s0 =	simm.s32 @p1 $0x1  }
0x15: {  	[smem:$0x3FB7] =	sst s0;
	s0 =	simm.s32 @!p2 $0x0  }
0x16: {  	s3 =	sld [smem:$0x3FDB];
	s0 =	simm.s32 @p2 $0x1  }
0x17: {  	s4 =	simm.s32 $0x1BF5;
	[smem:$0x3FB9] =	sst s0  }
0x18: {  	s0 =	sld [smem:$0x3F9C];
	_ =	swait.ge [sflag:s4], $0x0  }
0x19: {  	s7 =	sld [smem:$0x3F9D]  }
0x1a: {  	s8 =	sadd.s32 $0xFFFFE003, lr  }
0x1b: {  	s9 =	sadd.s32 $0xFFFFFEF7, lr;
	s5 =	simm.s32 $0xFFFFFFFF;
	p2 =	slt.u32 s8, $0xFFFFF086  }
0x1c: {  	p1 =	slt.u32 s9, $0xF7A;
	s5 =	simm.s32 @!p2 $0x0  }
0x1d: {  	s5 =	simm.s32 @p1 $0x1;
	p0 =	seq.s32 s7, s2  }
0x1e: {  	s7 =	smul.u32 @!p0 $0xF7A, s2;
	p2 =	seq.s32 @!p0 s5, $0x0  }
0x1f: {  	s9 =	smul.u32 $0xF7A, s1;
	s8 =	simm.s32 @!p0 $0x1BF5;
	p2 =	por !p2, p0  }
0x20: {  	[sflag:s8] =	ssyncset.s32 @!p0 $0xFFFFF086;
	s6 =	sadd.s32 @!p0 s3, s7;
	s7 =	simm.s32 @!p0 $0x108  }
0x21: {  	s3 =	sadd.s32 s3, s9;
	s6 =	sadd.s32 @!p0 $0x88, s6;
	s7 =	simm.s32 @p2 $0x1082  }
0x22: {  	[simem:s7], [sflag:s8] =	dma.local @!p0 [hbm:s6], $0xF7A  }
0x23: {  	s9 =	sor.u32 $0xD0000000, s2;
	s6 =	simm.s32 $0x108;
	_ =	swait.ge @!p0 [sflag:s8], $0x0  }
0x24: {  	s3 =	sadd.s32 $0x88, s3;
	s6 =	simm.s32 @!p1 $0x1082;
	[sflag:s4] =	ssyncset.s32 $0xFFFFF086  }
0x25: {  	[simem:s6], [sflag:s4] =	dma.local [hbm:s3], $0xF7A  }
0x26: {  	[smem:$0x3F9D] =	sst s1;
	(tag) =	ssettag s2;
	_ =	strace s9  }
0x27: {  	s1 =	sld [smem:$0x3FAD]  }
0x28: {  	s2 =	sld [smem:$0x3FAE]  }
0x29: {  	s4 =	sld [smem:$0x3FB0]  }
0x2a: {  	p0 =	seq.s32 s5, $0x0;
	s5 =	sld [smem:$0x3FB1]  }
0x2b: {  	s6 =	sld [smem:$0x3FB2]  }
0x2c: {  	s7 =	sld [smem:$0x3FB3]  }
0x2d: {  	s3 =	simm.s32 $0x108;
	s8 =	sld [smem:$0x3FB4]  }
0x2e: {  	s3 =	simm.s32 @!p0 $0x1082;
	s9 =	sld [smem:$0x3FB5]  }
0x2f: {  	lr =	sadd.s32 s0, s3;
	s0 =	sld [smem:$0x3FAC]  }
0x30: {  	s3 =	sld [smem:$0x3FAF]  }
0x31: {  	[smem:$0x3FB8] =	sst s10  }
0x32: {  	s10 =	sld [smem:$0x3FB6];
	_ =	sdelay $0x3  }
0x33: {  	p0 =	seq.s32 s10, $0x1;
	s10 =	sld [smem:$0x3FB8];
	_ =	sdelay $0x3  }
0x34: {  	[smem:$0x3FB8] =	sst s10  }
0x35: {  	s10 =	sld [smem:$0x3FB7];
	_ =	sdelay $0x3  }
0x36: {  	p1 =	seq.s32 s10, $0x1;
	s10 =	sld [smem:$0x3FB8];
	_ =	sdelay $0x3  }
0x37: {  	[smem:$0x3FB8] =	sst s10  }
0x38: {  	s10 =	sld [smem:$0x3FB9]  }
0x39: {  	_ = 	snop;
	(pc) =	sbr.ind lr, $3  }
0x3a: {  	_ = 	snop  }
0x3b: {  	_ = 	snop  }
0x3c: {  	p2 =	seq.s32 s10, $0x1;
	s10 =	sld [smem:$0x3FB8]  }
0x3d: {  	_ =	shalt  }
0x3e: {  	_ =	shalt  }
0x3f: {  	_ =	shalt  }
0x40: {  	_ =	shalt  }
0x41: {  	_ =	shalt  }
0x42: {  	_ =	shalt  }
0x43: {  	_ =	shalt  }
0x44: {  	_ =	shalt  }
0x45: {  	_ =	shalt  }
0x46: {  	_ =	shalt  }
0x47: {  	_ =	shalt  }
0x48: {  	_ =	shalt  }
0x49: {  	_ =	shalt  }
0x4a: {  	_ =	shalt  }
0x4b: {  	_ =	shalt  }
0x4c: {  	_ =	shalt  }
0x4d: {  	_ =	shalt  }
0x4e: {  	_ =	shalt  }
0x4f: {  	_ =	shalt  }
0x50: {  	_ =	shalt  }
0x51: {  	_ =	shalt  }
0x52: {  	_ =	shalt  }
0x53: {  	_ =	shalt  }
0x54: {  	_ =	shalt  }
0x55: {  	_ =	shalt  }
0x56: {  	_ =	shalt  }
0x57: {  	_ =	shalt  }
0x58: {  	_ =	shalt  }
0x59: {  	_ =	shalt  }
0x5a: {  	_ =	shalt  }
0x5b: {  	_ =	shalt  }
0x5c: {  	_ =	shalt  }
0x5d: {  	_ =	shalt  }
0x5e: {  	_ =	shalt  }
0x5f: {  	_ =	shalt  }
0x60: {  	_ =	shalt  }
0x61: {  	_ =	shalt  }
0x62: {  	_ =	shalt  }
0x63: {  	_ =	shalt  }
0x64: {  	_ =	shalt  }
0x65: {  	_ =	shalt  }
0x66: {  	_ =	shalt  }
0x67: {  	_ =	shalt  }
0x68: {  	_ =	shalt  }
0x69: {  	_ =	shalt  }
0x6a: {  	_ =	shalt  }
0x6b: {  	_ =	shalt  }
0x6c: {  	_ =	shalt  }
0x6d: {  	_ =	shalt  }
0x6e: {  	_ =	shalt  }
0x6f: {  	_ =	shalt  }
0x70: {  	_ =	shalt  }
0x71: {  	_ =	shalt  }
0x72: {  	_ =	shalt  }
0x73: {  	_ =	shalt  }
0x74: {  	_ =	shalt  }
0x75: {  	_ =	shalt  }
0x76: {  	_ =	shalt  }
0x77: {  	_ =	shalt  }
0x78: {  	_ =	shalt  }
0x79: {  	_ =	shalt  }
0x7a: {  	_ =	shalt  }
0x7b: {  	_ =	shalt  }
0x7c: {  	_ =	shalt  }
0x7d: {  	_ =	shalt  }
0x7e: {  	_ =	shalt  }
0x7f: {  	_ =	shalt  }
0x80: {  	_ =	shalt  }
0x81: {  	_ =	shalt  }
0x82: {  	_ =	shalt  }
0x83: {  	_ =	shalt  }
0x84: {  	_ =	shalt  }
0x85: {  	_ =	shalt  }
0x86: {  	_ =	shalt  }
0x87: {  	_ =	shalt  }
.Lfunc_end0:
.L_simem_size_0:
called_computation_lowered:
.L_overlay_start_0:
0x88: {  	s2 =	sld [smem:$0x3FD9]  }
0x89: {  	s3 =	sld [smem:$0x3FFE];
	_ =	sdelay $0x1  }
0x8a: {  	s1 =	srdreg.scid  }
0x8b: {  	s0 =	sand.u32 $0x1, s1  }
0x8c: {  	s17 =	sshll.u32 s0, $0xA;
	s2 =	sadd.s32 s3, s2  }
0x8d: {  	s2 =	sadd.s32 s2, s17  }
0x8e: {  	[smem:$0x3FC4] =	sst s2  }
0x8f: {  	_ = 	snop  }
0x90: {  	s2 =	sld [smem:$0x3FC8]  }
0x91: {  	s18 =	sld [smem:$0x3FC7]  }
0x92: {  	s4 =	sld [smem:$0x3FC6]  }
0x93: {  	s5 =	sld [smem:$0x3FD0];
	(tm) =	ssettm $0x1  }
0x94: {  	s6 =	sld [smem:$0x3FFB];
	_ =	sdelay $0x3  }
0x95: {  	_ =	strace s6  }
0x96: {  	s6 =	sld [smem:$0x3FFC];
	_ =	sdelay $0x3  }
0x97: {  	_ =	strace s6  }
0x98: {  	s6 =	sld [smem:$0x3FFD];
	_ =	sdelay $0x3  }
0x99: {  	_ =	strace s6  }
0x9a: {  	_ =	strace $0x8FFFFFFF  }
0x9b: {  	s19 =	sld [smem:$0x3FDB];
	_ =	sdelay $0x1  }
0x9c: {  	s7 =	simm.s32 $_scs_section_size  }
0x9d: {  	s8 =	simm.s32 $_size__tile_overlayer_lowered;
	s9 =	simm.s32 $_tile_overlayer_lowered  }
0x9e: {  	s22 =	simm.s32 $0x1BFF;
	s21 =	sshll.u32 s9, $0x1;
	s6 =	sadd.s32 s7, s19  }
0x9f: {  	s10 =	simm.s32 $0x0;
	s20 =	sshll.u32 s8, $0x1;
	s8 =	sadd.s32 s21, s6  }
0xa0: {  	[timem:s10], [sflag:s22] =	dma.local [hbm:s8], s20  }
0xa1: {  	_ =	swait.ge [sflag:s22], s20  }
0xa2: {  	s7 =	ssub.s32 $0x0, s20;
	[sflag:s22] =	ssyncset.done $0x0  }
0xa3: {  	[sflag:s22] =	ssyncadd.s32 s7;
	_ =	sdelay $0x1  }
0xa4: {  	s23 =	simm.s32 $0x1B8B  }
0xa5: {  	_ =	swait.ge [sflag:s23], $0x1  }
0xa6: {  	[sflag:s23] =	ssyncset.done $0x0  }
0xa7: {  	s25 =	simm.s32 $0x1B8E;
	s24 =	sld [smem:$0x3FFE];
	[sflag:s23] =	ssyncadd.s32 $0xFFFFFFFF  }
0xa8: {  	s26 =	simm.s32 $execute0_lowered;
	[smem:$0x3FD2] =	sst s25  }
0xa9: {  	s8 =	sshll.u32 s26, $0x1;
	_ =	strace $0x80000046;
	[dreg:$0x1] =	wrdreg $0xFFFFFFFF  }
0xaa: {  	s28 =	simm.s32 $_size_execute0_lowered;
	s6 =	sadd.s32 s6, s8;
	[dreg:$0x0] =	wrdreg $0x0  }
0xab: {  	s8 =	sshll.u32 s28, $0x1;
	[dreg:$0x2] =	wrdreg s6  }
0xac: {  	[dreg:$0x3] =	wrdreg s8  }
0xad: {  	[dreg:$0x4] =	wrdreg $0xC0  }
0xae: {  	_ =	task [dreg:s10], $0x5FFFF  }
0xaf: {  	[dreg:$0x1] =	wrdreg $0xFFFFFFFF  }
0xb0: {  	[dreg:$0x0] =	wrdreg $0x60  }
0xb1: {  	[dreg:$0x2] =	wrdreg s2  }
0xb2: {  	[dreg:$0x3] =	wrdreg s24  }
0xb3: {  	[dreg:$0x4] =	wrdreg s18  }
0xb4: {  	[dreg:$0x5] =	wrdreg s4  }
0xb5: {  	[dreg:$0x6] =	wrdreg s5  }
0xb6: {  	[dreg:$0x7] =	wrdreg $0x9  }
0xb7: {  	_ =	task.clear_ibuf [dreg:s10], $0x8FFFF;
	_ =	strace $0x90000046  }
0xb8: {  	s29 =	simm.s32 $0x9;
	_ =	strace $0x80000048  }
0xb9: {  	_ =	swait.ge [sflag:s29], $0x1  }
0xba: {  	[sflag:s29] =	ssyncadd.s32 $0xFFFFFFFF  }
0xbb: {  	_ =	strace $0x90000048  }
0xbc: {  	_ =	sfence  }
0xbd: {  	s30 =	sld [smem:$0x0];
	_ =	sdelay $0x2  }
0xbe: {  	s31 =	sshll.u32 s1, $0xD;
	s1 =	sshrl.u32 s1, $0x2  }
0xbf: {  	s3 =	sand.u32 $0x4000, s31;
	s1 =	sadd.s32 s1, s30  }
0xc0: {  	s0 =	sor.u32 s3, s0;
	s1 =	sshll.u32 s1, $0x11  }
0xc1: {  	s0 =	sor.u32 s1, s0  }
0xc2: {  	s0 =	sadd.s32 $0x8F2B, s0  }
0xc3: {  	[sflag:s0] =	ssyncadd.remote.s32 $0x1  }
0xc4: {  	_ =	sfence.sel $0xFFFF  }
0xc5: {  	[dreg:$0x0] =	wrdreg $0xFFFFFFFF;
	(pc) =	sbr.abs _section_cstart, $3  }
0xc6: {  	[dreg:$0x1] =	wrdreg $0xFFFFFFFF  }
0xc7: {  	_ =	task.clear_ibuf [dreg:s10], $0x2FFFF;
	_ =	strace $0x9FFFFFFF  }
0xc8: {  	(tm) =	ssettm $0x7FFFFFFF  }
0xc9: {  	_ =	shalt  }
tec
execute0_lowered:
.L_overlay_start_1:
0x0: {  	(tag) =	ssettag $0x1  }
0x1: {  	s0 =	rddreg [dreg:$0x0]  }
0x2: {  	s8 =	rddreg [dreg:$0x1]  }
0x3: {  	s2 =	rddreg [dreg:$0x2]  }
0x4: {  	s3 =	rddreg [dreg:$0x3]  }
0x5: {  	s1 =	srdreg.scid;
	s4 =	rddreg [dreg:$0x4];
	s6 =	simm.s32 $0x0  }
0x6: {  	s7 =	stileid.u32;
	s11 =	simm.s32 $0xC800;
	s12 =	simm.s32 $0x1  }
.Ltmp0:
0x7: {  	s13 =	simm.s32 $0xC880;
	s5 =	sand.u32 $0x1, s1;
	(pc) =	sbr.rel .LBB2_1-.Ltmp0, $4  }
0x8: {  	s14 =	simm.s32 $0x2;
	s15 =	simm.s32 $0x6400;
	s9 =	ssub.s32 $0x2, s5  }
0x9: {  	s16 =	simm.s32 $0x0;
	s1 =	rddreg [dreg:$0x5];
	s10 =	sshrl.u32 s9, $0x1  }
0xa: {  	[smem:$0x7FF] =	sst s6;
	s8 =	sadd.s32 $0x400, s8;
	s10 =	ssub.s32 s9, s10  }
0xb: {  	_ =	strace $0x80000047;
	s9 =	sshll.u32 s7, $0x1;
	s10 =	smax.u32 s10, $0x1  }
.LBB2_7:
0xc: {  	s16 =	sadd.s32 $0x1, s16  }
0xd: {  	p0 =	sne.s32 s16, s10  }
.Ltmp1:
0xe: {  	_ = 	snop;
	(pc) =	sbr.rel @!p0 .LBB2_8-.Ltmp1, $1  }
0xf: {  	_ =	sdelay $0x3  }
.LBB2_1:
0x10: {  	[tilespmem:s11], [sflag:$0x1] =	stream.linear.gather [hbm4b:s2+s6], $0x80, $0x38;
	[tilespmem:$0xC900] =	vst v63  }
0x11: {  	_ =	swait.ge [sflag:s12], $0x80  }
0x12: {  	[sflag:s12] =	ssyncset.done $0x0  }
.Ltmp2:
0x13: {  	[sflag:s12] =	ssyncadd.s32 $0xFFFFFF80;
	(pc) =	sbr.rel .LBB2_2-.Ltmp2, $4  }
0x14: {  	[tilespmem:s13], [sflag:$0x1] =	stream.linear.gather [hbm4b:s3+s6], $0x80, $0x38;
	[tilespmem:$0xC900] =	vst v63  }
0x15: {  	_ =	swait.ge [sflag:s12], $0x80  }
0x16: {  	[sflag:s12] =	ssyncset.done $0x0  }
0x17: {  	s17 =	simm.s32 $0x0;
	[sflag:s12] =	ssyncadd.s32 $0xFFFFFF80  }
.LBB2_6:
0x18: {  	s17 =	sadd.s32 $0x1, s17  }
0x19: {  	p0 =	sne.s32 s17, $0x10  }
.Ltmp3:
0x1a: {  	_ = 	snop;
	(pc) =	sbr.rel @!p0 .LBB2_7-.Ltmp3, $1  }
0x1b: {  	_ =	sdelay $0x3  }
.LBB2_2:
0x1c: {  	s18 =	sshll.u32 s17, $0x5  }
0x1d: {  	s18 =	sor.u32 s9, s18  }
0x1e: {  	p0 =	sgt.u32 s18, $0x1F3  }
.Ltmp4:
0x1f: {  	_ = 	snop;
	(pc) =	sbr.rel @p0 .LBB2_6-.Ltmp4, $1  }
0x20: {  	_ =	sdelay $0x3  }
0x21: {  	s18 =	sor.u32 s5, s18  }
0x22: {  	s18 =	smul.u32 $0xC80, s18;
	_ =	sdelay $0x1  }
0x23: {  	s20 =	simm.s32 $0x0;
	s19 =	sadd.s32 s0, s18  }
0x24: {  	[tilespmem:s20], [sflag:$0x2] =	stream.linear.gather [hbm4b:s19+s20], $0x6400, $0x38;
	[tilespmem:$0xC900] =	vst v63  }
0x25: {  	_ =	swait.ge [sflag:s14], $0x6400  }
0x26: {  	[sflag:s14] =	ssyncset.done $0x0  }
0x27: {  	s31 =	sadd.s32 s8, s18;
	[sflag:s14] =	ssyncadd.s32 $0xFFFF9C00  }
0x28: {  	[tilespmem:s15], [sflag:$0x2] =	stream.linear.gather [hbm4b:s31+s20], $0x6400, $0x38;
	[tilespmem:$0xC900] =	vst v63  }
0x29: {  	_ =	swait.ge [sflag:s14], $0x6400  }
0x2a: {  	[sflag:s14] =	ssyncset.done $0x0  }
0x2b: {  	s19 =	simm.s32 $0x0;
	[sflag:s14] =	ssyncadd.s32 $0xFFFF9C00  }
0x2c: {  	v0 =	vld [tilespmem:s19+$0x6400]  }
0x2d: {  	v1 =	vld [tilespmem:$0xC800];
	_ =	sdelay $0x1  }
0x2e: {  	v2 =	vld [tilespmem:s19+$0x0];
	_ =	sdelay $0x1  }
0x2f: {  	v3 =	vld [tilespmem:$0xC880]  }
0x30: {  	v1 =	vmul.f32 v1, v0;
	_ =	sdelay $0x1  }
0x31: {  	v1 =	vadd.f32 v1, v2;
	_ =	sdelay $0x1  }
0x32: {  	v1 =	vadd.f32 v1, v3;
	_ =	sdelay $0x1  }
0x33: {  	[tilespmem:s19+$0x0] =	vst v1  }
0x34: {  	v1 =	vld [tilespmem:$0xC810];
	_ =	sdelay $0x1  }
0x35: {  	v2 =	vld [tilespmem:s19+$0x10];
	_ =	sdelay $0x1  }
0x36: {  	v3 =	vld [tilespmem:$0xC890]  }
0x37: {  	v1 =	vmul.f32 v1, v0;
	_ =	sdelay $0x1  }
0x38: {  	v1 =	vadd.f32 v1, v2;
	_ =	sdelay $0x1  }
0x39: {  	v1 =	vadd.f32 v1, v3;
	_ =	sdelay $0x1  }
0x3a: {  	[tilespmem:s19+$0x10] =	vst v1  }
0x3b: {  	v1 =	vld [tilespmem:$0xC820];
	_ =	sdelay $0x1  }
0x3c: {  	v2 =	vld [tilespmem:s19+$0x20];
	_ =	sdelay $0x1  }
0x3d: {  	v3 =	vld [tilespmem:$0xC8A0]  }
0x3e: {  	v1 =	vmul.f32 v1, v0;
	_ =	sdelay $0x1  }
0x3f: {  	v1 =	vadd.f32 v1, v2;
	_ =	sdelay $0x1  }
0x40: {  	v1 =	vadd.f32 v1, v3;
	_ =	sdelay $0x1  }
0x41: {  	[tilespmem:s19+$0x20] =	vst v1  }
0x42: {  	v1 =	vld [tilespmem:$0xC830];
	_ =	sdelay $0x1  }
0x43: {  	v2 =	vld [tilespmem:s19+$0x30];
	_ =	sdelay $0x1  }
0x44: {  	v3 =	vld [tilespmem:$0xC8B0]  }
0x45: {  	v1 =	vmul.f32 v1, v0;
	_ =	sdelay $0x1  }
0x46: {  	v1 =	vadd.f32 v1, v2;
	_ =	sdelay $0x1  }
0x47: {  	v1 =	vadd.f32 v1, v3;
	_ =	sdelay $0x1  }
0x48: {  	[tilespmem:s19+$0x30] =	vst v1  }
0x49: {  	v1 =	vld [tilespmem:$0xC840];
	_ =	sdelay $0x1  }
0x4a: {  	v2 =	vld [tilespmem:s19+$0x40];
	_ =	sdelay $0x1  }
0x4b: {  	v3 =	vld [tilespmem:$0xC8C0]  }
0x4c: {  	v1 =	vmul.f32 v1, v0;
	_ =	sdelay $0x1  }
0x4d: {  	v1 =	vadd.f32 v1, v2;
	_ =	sdelay $0x1  }
0x4e: {  	v1 =	vadd.f32 v1, v3;
	_ =	sdelay $0x1  }
0x4f: {  	[tilespmem:s19+$0x40] =	vst v1  }
0x50: {  	v1 =	vld [tilespmem:$0xC850];
	_ =	sdelay $0x1  }
0x51: {  	v2 =	vld [tilespmem:s19+$0x50];
	_ =	sdelay $0x1  }
0x52: {  	v3 =	vld [tilespmem:$0xC8D0]  }
0x53: {  	v1 =	vmul.f32 v1, v0;
	_ =	sdelay $0x1  }
0x54: {  	v1 =	vadd.f32 v1, v2;
	_ =	sdelay $0x1  }
0x55: {  	v1 =	vadd.f32 v1, v3;
	_ =	sdelay $0x1  }
0x56: {  	[tilespmem:s19+$0x50] =	vst v1  }
0x57: {  	v1 =	vld [tilespmem:$0xC860];
	_ =	sdelay $0x1  }
0x58: {  	v2 =	vld [tilespmem:s19+$0x60];
	_ =	sdelay $0x1  }
0x59: {  	v3 =	vld [tilespmem:$0xC8E0]  }
0x5a: {  	v1 =	vmul.f32 v1, v0;
	_ =	sdelay $0x1  }
0x5b: {  	v1 =	vadd.f32 v1, v2;
	_ =	sdelay $0x1  }
0x5c: {  	v1 =	vadd.f32 v1, v3;
	_ =	sdelay $0x1  }
0x5d: {  	[tilespmem:s19+$0x60] =	vst v1  }
0x5e: {  	v1 =	vld [tilespmem:$0xC870];
	_ =	sdelay $0x1  }
0x5f: {  	v2 =	vld [tilespmem:s19+$0x70];
	_ =	sdelay $0x1  }
0x60: {  	v3 =	vld [tilespmem:$0xC8F0]  }
0x61: {  	v0 =	vmul.f32 v1, v0;
	_ =	sdelay $0x1  }
0x62: {  	v0 =	vadd.f32 v0, v2;
	_ =	sdelay $0x1  }
0x63: {  	s21 =	simm.s32 $0x400;
	s20 =	simm.s32 $0x200;
	v1 =	vadd.f32 v0, v3  }
.LBB2_4:
0x64: {  	p0 =	sne.s32 s21, $0x18E00  }
0x65: {  	s22 =	sshra.s32 s20, $0x2;
	s20 =	smov.u32 s21;
	s21 =	sadd.s32 $0x200, s21  }
0x66: {  	v0 =	vld [tilespmem:s22+$0x6400];
	[tilespmem:s19+$0x70] =	vst v1;
	s19 =	smov.u32 s22  }
0x67: {  	v1 =	vld [tilespmem:$0xC800]  }
0x68: {  	v2 =	vld [tilespmem:s19+$0x0];
	_ =	sdelay $0x1  }
0x69: {  	v3 =	vld [tilespmem:$0xC880];
	_ =	sdelay $0x1  }
0x6a: {  	v1 =	vmul.f32 v1, v0;
	_ =	sdelay $0x1  }
0x6b: {  	v1 =	vadd.f32 v1, v2;
	_ =	sdelay $0x1  }
0x6c: {  	v1 =	vadd.f32 v1, v3;
	_ =	sdelay $0x1  }
0x6d: {  	[tilespmem:s19+$0x0] =	vst v1  }
0x6e: {  	v1 =	vld [tilespmem:$0xC810]  }
0x6f: {  	v2 =	vld [tilespmem:s19+$0x10];
	_ =	sdelay $0x1  }
0x70: {  	v3 =	vld [tilespmem:$0xC890];
	_ =	sdelay $0x1  }
0x71: {  	v1 =	vmul.f32 v1, v0;
	_ =	sdelay $0x1  }
0x72: {  	v1 =	vadd.f32 v1, v2;
	_ =	sdelay $0x1  }
0x73: {  	v1 =	vadd.f32 v1, v3;
	_ =	sdelay $0x1  }
0x74: {  	[tilespmem:s19+$0x10] =	vst v1  }
0x75: {  	v1 =	vld [tilespmem:$0xC820]  }
0x76: {  	v2 =	vld [tilespmem:s19+$0x20];
	_ =	sdelay $0x1  }
0x77: {  	v3 =	vld [tilespmem:$0xC8A0];
	_ =	sdelay $0x1  }
0x78: {  	v1 =	vmul.f32 v1, v0;
	_ =	sdelay $0x1  }
0x79: {  	v1 =	vadd.f32 v1, v2;
	_ =	sdelay $0x1  }
0x7a: {  	v1 =	vadd.f32 v1, v3;
	_ =	sdelay $0x1  }
0x7b: {  	[tilespmem:s19+$0x20] =	vst v1  }
0x7c: {  	v1 =	vld [tilespmem:$0xC830]  }
0x7d: {  	v2 =	vld [tilespmem:s19+$0x30];
	_ =	sdelay $0x1  }
0x7e: {  	v3 =	vld [tilespmem:$0xC8B0];
	_ =	sdelay $0x1  }
0x7f: {  	v1 =	vmul.f32 v1, v0;
	_ =	sdelay $0x1  }
0x80: {  	v1 =	vadd.f32 v1, v2;
	_ =	sdelay $0x1  }
0x81: {  	v1 =	vadd.f32 v1, v3;
	_ =	sdelay $0x1  }
0x82: {  	[tilespmem:s19+$0x30] =	vst v1  }
0x83: {  	v1 =	vld [tilespmem:$0xC840]  }
0x84: {  	v2 =	vld [tilespmem:s19+$0x40];
	_ =	sdelay $0x1  }
0x85: {  	v3 =	vld [tilespmem:$0xC8C0];
	_ =	sdelay $0x1  }
0x86: {  	v1 =	vmul.f32 v1, v0;
	_ =	sdelay $0x1  }
0x87: {  	v1 =	vadd.f32 v1, v2;
	_ =	sdelay $0x1  }
0x88: {  	v1 =	vadd.f32 v1, v3;
	_ =	sdelay $0x1  }
0x89: {  	[tilespmem:s19+$0x40] =	vst v1;
	v1 =	vld [tilespmem:s19+$0x50]  }
0x8a: {  	v2 =	vld [tilespmem:$0xC850]  }
0x8b: {  	v3 =	vld [tilespmem:$0xC8D0];
	_ =	sdelay $0x3  }
0x8c: {  	v2 =	vmul.f32 v2, v0;
	_ =	sdelay $0x1  }
0x8d: {  	v1 =	vadd.f32 v2, v1;
	_ =	sdelay $0x1  }
0x8e: {  	v1 =	vadd.f32 v1, v3;
	_ =	sdelay $0x1  }
0x8f: {  	[tilespmem:s19+$0x50] =	vst v1;
	v1 =	vld [tilespmem:s19+$0x60]  }
0x90: {  	v2 =	vld [tilespmem:$0xC860]  }
0x91: {  	v3 =	vld [tilespmem:$0xC8E0];
	_ =	sdelay $0x3  }
0x92: {  	v2 =	vmul.f32 v2, v0;
	_ =	sdelay $0x1  }
0x93: {  	v1 =	vadd.f32 v2, v1;
	_ =	sdelay $0x1  }
0x94: {  	v1 =	vadd.f32 v1, v3;
	_ =	sdelay $0x1  }
0x95: {  	[tilespmem:s19+$0x60] =	vst v1;
	v1 =	vld [tilespmem:s19+$0x70]  }
0x96: {  	v2 =	vld [tilespmem:$0xC870]  }
0x97: {  	v3 =	vld [tilespmem:$0xC8F0];
	_ =	sdelay $0x3  }
.Ltmp5:
0x98: {  	v0 =	vmul.f32 v2, v0;
	(pc) =	sbr.rel @p0 .LBB2_4-.Ltmp5, $3  }
0x99: {  	_ = 	snop  }
0x9a: {  	v0 =	vadd.f32 v0, v1;
	_ =	sdelay $0x1  }
0x9b: {  	v1 =	vadd.f32 v0, v3  }
0x9c: {  	s20 =	sshra.s32 s20, $0x2  }
0x9d: {  	v0 =	vld [tilespmem:s20+$0x6400];
	[tilespmem:s19+$0x70] =	vst v1  }
0x9e: {  	v1 =	vld [tilespmem:$0xC800];
	_ =	sdelay $0x1  }
0x9f: {  	v2 =	vld [tilespmem:s20+$0x0];
	_ =	sdelay $0x1  }
0xa0: {  	v3 =	vld [tilespmem:$0xC880]  }
0xa1: {  	v1 =	vmul.f32 v1, v0;
	_ =	sdelay $0x1  }
0xa2: {  	v1 =	vadd.f32 v1, v2;
	_ =	sdelay $0x1  }
0xa3: {  	v1 =	vadd.f32 v1, v3;
	_ =	sdelay $0x1  }
0xa4: {  	[tilespmem:s20+$0x0] =	vst v1  }
0xa5: {  	v1 =	vld [tilespmem:$0xC810];
	_ =	sdelay $0x1  }
0xa6: {  	v50 =	vld [tilespmem:s20+$0x10];
	_ =	sdelay $0x1  }
0xa7: {  	v51 =	vld [tilespmem:$0xC890]  }
0xa8: {  	v1 =	vmul.f32 v1, v0;
	_ =	sdelay $0x1  }
0xa9: {  	v1 =	vadd.f32 v1, v50;
	_ =	sdelay $0x1  }
0xaa: {  	v1 =	vadd.f32 v1, v51;
	_ =	sdelay $0x1  }
0xab: {  	[tilespmem:s20+$0x10] =	vst v1  }
0xac: {  	v1 =	vld [tilespmem:$0xC820];
	_ =	sdelay $0x1  }
0xad: {  	v52 =	vld [tilespmem:s20+$0x20];
	_ =	sdelay $0x1  }
0xae: {  	v53 =	vld [tilespmem:$0xC8A0]  }
0xaf: {  	v1 =	vmul.f32 v1, v0;
	_ =	sdelay $0x1  }
0xb0: {  	v1 =	vadd.f32 v1, v52;
	_ =	sdelay $0x1  }
0xb1: {  	v1 =	vadd.f32 v1, v53;
	_ =	sdelay $0x1  }
0xb2: {  	[tilespmem:s20+$0x20] =	vst v1  }
0xb3: {  	v1 =	vld [tilespmem:$0xC830];
	_ =	sdelay $0x1  }
0xb4: {  	v54 =	vld [tilespmem:s20+$0x30];
	_ =	sdelay $0x1  }
0xb5: {  	v55 =	vld [tilespmem:$0xC8B0]  }
0xb6: {  	v1 =	vmul.f32 v1, v0;
	_ =	sdelay $0x1  }
0xb7: {  	v1 =	vadd.f32 v1, v54;
	_ =	sdelay $0x1  }
0xb8: {  	v1 =	vadd.f32 v1, v55;
	_ =	sdelay $0x1  }
0xb9: {  	[tilespmem:s20+$0x30] =	vst v1  }
0xba: {  	v1 =	vld [tilespmem:$0xC840];
	_ =	sdelay $0x1  }
0xbb: {  	v56 =	vld [tilespmem:s20+$0x40];
	_ =	sdelay $0x1  }
0xbc: {  	v57 =	vld [tilespmem:$0xC8C0]  }
0xbd: {  	v1 =	vmul.f32 v1, v0;
	_ =	sdelay $0x1  }
0xbe: {  	v1 =	vadd.f32 v1, v56;
	_ =	sdelay $0x1  }
0xbf: {  	v1 =	vadd.f32 v1, v57;
	_ =	sdelay $0x1  }
0xc0: {  	[tilespmem:s20+$0x40] =	vst v1  }
0xc1: {  	v1 =	vld [tilespmem:$0xC850];
	_ =	sdelay $0x1  }
0xc2: {  	v58 =	vld [tilespmem:s20+$0x50];
	_ =	sdelay $0x1  }
0xc3: {  	v59 =	vld [tilespmem:$0xC8D0]  }
0xc4: {  	v1 =	vmul.f32 v1, v0;
	_ =	sdelay $0x1  }
0xc5: {  	v1 =	vadd.f32 v1, v58;
	_ =	sdelay $0x1  }
0xc6: {  	v1 =	vadd.f32 v1, v59;
	_ =	sdelay $0x1  }
0xc7: {  	[tilespmem:s20+$0x50] =	vst v1  }
0xc8: {  	v1 =	vld [tilespmem:$0xC860];
	_ =	sdelay $0x1  }
0xc9: {  	v60 =	vld [tilespmem:s20+$0x60];
	_ =	sdelay $0x1  }
0xca: {  	v61 =	vld [tilespmem:$0xC8E0]  }
0xcb: {  	v1 =	vmul.f32 v1, v0;
	_ =	sdelay $0x1  }
0xcc: {  	v1 =	vadd.f32 v1, v60;
	_ =	sdelay $0x1  }
0xcd: {  	v1 =	vadd.f32 v1, v61;
	_ =	sdelay $0x1  }
0xce: {  	[tilespmem:s20+$0x60] =	vst v1  }
0xcf: {  	v1 =	vld [tilespmem:$0xC870];
	_ =	sdelay $0x1  }
0xd0: {  	v62 =	vld [tilespmem:s20+$0x70];
	_ =	sdelay $0x1  }
0xd1: {  	v63 =	vld [tilespmem:$0xC8F0]  }
0xd2: {  	v0 =	vmul.f32 v1, v0;
	_ =	sdelay $0x1  }
0xd3: {  	v0 =	vadd.f32 v0, v62;
	_ =	sdelay $0x1  }
0xd4: {  	v0 =	vadd.f32 v0, v63;
	_ =	sdelay $0x1  }
.Ltmp6:
0xd5: {  	s18 =	sadd.s32 s4, s18;
	[tilespmem:s20+$0x70] =	vst v0;
	(pc) =	sbr.rel .LBB2_6-.Ltmp6, $4  }
0xd6: {  	[hbm4b:s18+s6] =	stream.linear.scatter [tilespmem:s6], [sflag:$0x1], $0x6400, $0x38;
	[tilespmem:$0xC900] =	vst v63  }
0xd7: {  	_ =	swait.ge [sflag:s12], $0x6400  }
0xd8: {  	[sflag:s12] =	ssyncset.done $0x0  }
0xd9: {  	[sflag:s12] =	ssyncadd.s32 $0xFFFF9C00  }
.LBB2_8:
0xda: {  	_ =	sfence.sel $0x180000  }
0xdb: {  	[bflag:$0x0] =	sbarrier.arrive $0xFFFF  }
0xdc: {  	p0 =	sne.s32 s7, $0x0;
	_ =	strace $0x90000047  }
0xdd: {  	s0 =	sadd.s32 @!p0 $0x100000, s1;
	[bflag:$0x2] =	sbarrier.arrive $0xFFFF  }
0xde: {  	[sflag:s0] =	ssyncadd.tile.s32 @!p0 $0x1;
	_ =	shalt  }
.Lfunc_end2:
_tile_overlayer_lowered:
.L_overlay_start_2:
0xdf: {  	(tag) =	ssettag $0x2  }
0xe0: {  	s0 =	rddreg [dreg:$0x0];
	s2 =	stileid.u32  }
0xe1: {  	s1 =	rddreg [dreg:$0x1];
	p0 =	sne.s32 s2, $0x0  }
0xe2: {  	s3 =	rddreg [dreg:$0x2];
	[bflag:$0x3] =	sbarrier.arrive $0xFFFF;
	s2 =	simm.s32 @!p0 $0x1C01  }
0xe3: {  	[timem:s3], [sflag:s2] =	dma.local @!p0 [hbm:s0], s1  }
0xe4: {  	s0 =	simm.s32 @!p0 $0x1  }
0xe5: {  	_ =	swait.ge @!p0 [sflag:s0], s1  }
0xe6: {  	s1 =	ssub.s32 @!p0 $0x0, s1;
	[sflag:s0] =	ssyncset.done @!p0 $0x0  }
0xe7: {  	[sflag:s0] =	ssyncadd.s32 @!p0 s1  }
0xe8: {  	[bflag:$0x3] =	sbarrier.arrive $0xFFFF  }
0xe9: {  	_ =	shalt  }

</sc_bundles>
